<compile_context>
chip_gen: v7x
topology: tpu7x:2x2x1
jax: 0.10.2.dev20260603
libtpu: 0.0.44.dev20260713+nightly
codegen_flags: <defaults>
</compile_context>

<pallas_src>
import functools

import jax
import jax.numpy as jnp
from jax import lax
from jax.experimental import pallas as pl
from jax.experimental.pallas import tpu as pltpu, tpu_sc as plsc

_D = 32
_M = 256
_C = 4096
_HALF = 4096


def _argmin_body(n_embeddings, x_ref, e_ref, x2_ref, e2_ref, o_ref):
    x2 = x2_ref[...]
    xb = x_ref[...].astype(jnp.bfloat16)

    def half_argmin(base):
        best_d = jnp.full((_M, 1), jnp.inf, jnp.float32)
        best_i = jnp.zeros((_M, 1), jnp.int32)
        for c in range(_HALF // _C):
            off = base + c * _C
            e = e_ref[:, pl.ds(off, _C)]
            e2 = e2_ref[:, pl.ds(off, _C)]
            mm = jnp.dot(xb, e, preferred_element_type=jnp.float32)
            d = x2 + e2 - 2.0 * mm
            lv = jnp.min(d, axis=1, keepdims=True)
            li = jnp.argmin(d, axis=1).astype(jnp.int32).reshape(_M, 1) + off
            upd = lv < best_d
            best_d = jnp.where(upd, lv, best_d)
            best_i = jnp.where(upd, li, best_i)
        return best_d, best_i

    vl, il = half_argmin(0)
    vr, ir = half_argmin(_HALF)
    pick_r = vr < vl.astype(jnp.bfloat16).astype(jnp.float32)
    o_ref[...] = jnp.where(pick_r, ir, il)


def _make_gather(n_tokens, row):
    info = plsc.get_sparse_core_info()
    nw = info.num_cores * info.num_subcores
    b_per_w = n_tokens // nw
    chunk = 256
    mesh = plsc.VectorSubcoreMesh(core_axis_name="c", subcore_axis_name="s")

    @functools.partial(
        pl.kernel, mesh=mesh,
        out_type=jax.ShapeDtypeStruct((n_tokens, row), jnp.float32),
        scratch_types=[
            pltpu.VMEM((b_per_w,), jnp.int32),
            pltpu.VMEM((chunk, row), jnp.float32),
            pltpu.SemaphoreType.DMA,
        ],
    )
    def gather(table_hbm, idx_hbm, out_hbm, idx_v, rows_v, sem):
        wid = lax.axis_index("s") * info.num_cores + lax.axis_index("c")
        base = wid * b_per_w
        pltpu.sync_copy(idx_hbm.at[pl.ds(base, b_per_w)], idx_v)
        for c in range(b_per_w // chunk):
            pltpu.async_copy(
                table_hbm.at[idx_v.at[pl.ds(c * chunk, chunk)]],
                rows_v, sem).wait()
            pltpu.sync_copy(rows_v,
                            out_hbm.at[pl.ds(base + c * chunk, chunk)])

    return gather


def kernel(inputs, embeddings):
    d = inputs.shape[-1]
    n_embeddings = embeddings.shape[1]
    flat = inputs.reshape(-1, d)
    n_tokens = flat.shape[0]
    x2 = jnp.sum(flat ** 2, axis=1, keepdims=True)
    e2 = jnp.sum(embeddings ** 2, axis=0, keepdims=True)
    ebf = embeddings.astype(jnp.bfloat16)
    idx = pl.pallas_call(
        functools.partial(_argmin_body, n_embeddings),
        grid=(n_tokens // _M,),
        in_specs=[
            pl.BlockSpec((_M, d), lambda i: (i, 0)),
            pl.BlockSpec((d, n_embeddings), lambda i: (0, 0)),
            pl.BlockSpec((_M, 1), lambda i: (i, 0)),
            pl.BlockSpec((1, n_embeddings), lambda i: (0, 0)),
        ],
        out_specs=pl.BlockSpec((_M, 1), lambda i: (i, 0)),
        out_shape=jax.ShapeDtypeStruct((n_tokens, 1), jnp.int32),
    )(flat, ebf, x2, e2)
    table = jnp.pad(embeddings.T, ((0, 0), (0, 128 - d)))
    q = _make_gather(n_tokens, 128)(table, idx.reshape(n_tokens))[:, :d]
    out = flat + (q - flat)
    return out.reshape(inputs.shape)

# --- scband reference (transcript-rebuilt; emitter-appended) ---
"""Pipeline reference for scband-vector-quantizer-layer-26740466385252 (READ-ONLY COPY).

The authoritative reference and input builder live on the scoring server;
editing this copy changes nothing except your own understanding.
"""

import jax, jax.numpy as jnp
import numpy as np

N_EMBEDDINGS = 8192
EMBEDDING_DIM = 32
BETA = 0.25


def setup_inputs(seed: int = 0) -> dict:
    key = jax.random.key(seed)
    k1, k2 = jax.random.split(key)
    inputs = jax.random.normal(k1, (32, 1024, EMBEDDING_DIM), dtype=jnp.float32)
    # embeddings stored as (embedding_dim, n_embeddings), matching the Keras layer
    embeddings = jax.random.uniform(k2, (EMBEDDING_DIM, N_EMBEDDINGS), dtype=jnp.float32, minval=-0.05, maxval=0.05)
    return {"inputs": inputs, "embeddings": embeddings}


def reference(inputs, embeddings):
    flattened_inputs = jnp.reshape(inputs, (-1, EMBEDDING_DIM))
    distances = (
        jnp.sum(flattened_inputs ** 2, axis=1, keepdims=True)
        + jnp.sum(embeddings ** 2, axis=0, keepdims=True)
        - 2.0 * jnp.matmul(flattened_inputs, embeddings)
    )
    embedding_indices = jnp.argmin(distances, axis=1)
    embedding_indices = jnp.reshape(embedding_indices, inputs.shape[:-1])
    # embedding lookup on transposed codebook: (n_embeddings, embedding_dim)
    quantized = jnp.take(jnp.transpose(embeddings), embedding_indices, axis=0)
    # commitment loss (side-effect add_loss in Keras; computed here for fidelity)
    commitment_loss = BETA * jnp.mean((jax.lax.stop_gradient(quantized) - inputs) ** 2)
    # straight-through estimator
    quantized = inputs + jax.lax.stop_gradient(quantized - inputs)
    return quantized

if __name__ == "__main__":
    import jax
    _d = setup_inputs()
    print(jax.jit(kernel)(*tuple(_d.values())))

</pallas_src>

<mosaic_0001>
#map = affine_map<(d0, d1) -> (0, 0)>
#map1 = affine_map<(d0, d1) -> (0)>
module attributes {stable_mosaic.version = 14 : i64} {
  func.func @gather(%arg0: i32, %arg1: i32, %arg2: memref<8192x128xf32, #tpu.memory_space<hbm>>, %arg3: memref<32768xi32, #tpu.memory_space<hbm>>, %arg4: memref<32768x128xf32, #tpu.memory_space<hbm>>, %arg5: memref<1024xi32, #tpu.memory_space<vmem>>, %arg6: memref<256x128xf32, #tpu.memory_space<vmem>>, %arg7: memref<!tpu.dma_semaphore, #tpu.memory_space<semaphore_mem>>) attributes {dimension_semantics = [#tpu.dimension_semantics<core_parallel>, #tpu.dimension_semantics<subcore_parallel>], iteration_bounds = array<i64: 2, 16>, scalar_prefetch = 0 : i64, scratch_operands = 3 : i64, tpu.core_type = #tpu.core_type<sc_vector_subcore>, window_params = [{transform_indices = #map}, {transform_indices = #map1}, {transform_indices = #map}]} {
    %mul3A = arith.constant 2 : i32
    %mul3A_0 = arith.muli %arg1, %mul3A : i32
    %add3A = arith.addi %mul3A_0, %arg0 : i32
    %mul3A_1 = arith.constant 1024 : i32
    %mul3A_2 = arith.muli %add3A, %mul3A_1 : i32
    "tpu.region"() ({
      %run_scoped3A = tpu.sem_alloc : memref<!tpu.dma_semaphore, #tpu.memory_space<semaphore_mem>>
      %dma_start3A_49 = tpu.memref_slice %arg3[%mul3A_2] : memref<32768xi32, #tpu.memory_space<hbm>> -> memref<1024xi32, #tpu.memory_space<hbm>>
      %dma_start3A_50 = tpu.memref_slice %arg3[%mul3A_2] : memref<32768xi32, #tpu.memory_space<hbm>> -> memref<1024xi32, #tpu.memory_space<hbm>>
      tpu.enqueue_dma source(%dma_start3A_50 : memref<1024xi32, #tpu.memory_space<hbm>>) target(%arg5 : memref<1024xi32, #tpu.memory_space<vmem>>) target_semaphore(%run_scoped3A : memref<!tpu.dma_semaphore, #tpu.memory_space<semaphore_mem>>)
      %dma_wait3A_51 = tpu.memref_slice %arg3[%mul3A_2] : memref<32768xi32, #tpu.memory_space<hbm>> -> memref<1024xi32, #tpu.memory_space<hbm>>
      %dma_wait3A_52 = tpu.memref_slice %arg3[%mul3A_2] : memref<32768xi32, #tpu.memory_space<hbm>> -> memref<1024xi32, #tpu.memory_space<hbm>>
      tpu.wait_dma2 semaphore(%run_scoped3A : memref<!tpu.dma_semaphore, #tpu.memory_space<semaphore_mem>>) src(%dma_wait3A_52 : memref<1024xi32, #tpu.memory_space<hbm>>) dst(%arg5 : memref<1024xi32, #tpu.memory_space<vmem>>)
      tpu.yield
    }) : () -> ()
    %dma_start3A = arith.constant 0 : i32
    %dma_start3A_3 = tpu.memref_slice %arg5[%dma_start3A] : memref<1024xi32, #tpu.memory_space<vmem>> -> memref<256xi32, #tpu.memory_space<vmem>>
    %dma_start3A_4 = arith.constant 0 : i32
    %dma_start3A_5 = arith.constant 0 : i32
    %dma_start3A_6 = tpu.memref_slice %arg2[%dma_start3A_4, %dma_start3A_5] : memref<8192x128xf32, #tpu.memory_space<hbm>> -> memref<8192x128xf32, #tpu.memory_space<hbm>>
    tpu.enqueue_indirect_dma source(%dma_start3A_6 : memref<8192x128xf32, #tpu.memory_space<hbm>>) target(%arg6 : memref<256x128xf32, #tpu.memory_space<vmem>>) offsets(%dma_start3A_3 : memref<256xi32, #tpu.memory_space<vmem>>) semaphore(%arg7 : memref<!tpu.dma_semaphore, #tpu.memory_space<semaphore_mem>>)
    %dma_wait3A = arith.constant 0 : i32
    %dma_wait3A_7 = tpu.memref_slice %arg5[%dma_wait3A] : memref<1024xi32, #tpu.memory_space<vmem>> -> memref<256xi32, #tpu.memory_space<vmem>>
    %dma_wait3A_8 = arith.constant 0 : i32
    %dma_wait3A_9 = arith.constant 0 : i32
    %dma_wait3A_10 = tpu.memref_slice %arg2[%dma_wait3A_8, %dma_wait3A_9] : memref<8192x128xf32, #tpu.memory_space<hbm>> -> memref<8192x128xf32, #tpu.memory_space<hbm>>
    tpu.wait_indirect_dma semaphore(%arg7 : memref<!tpu.dma_semaphore, #tpu.memory_space<semaphore_mem>>) src(%dma_wait3A_10 : memref<8192x128xf32, #tpu.memory_space<hbm>>) dst(%arg6 : memref<256x128xf32, #tpu.memory_space<vmem>>)
    %add3A_11 = arith.constant 0 : i32
    %add3A_12 = arith.addi %mul3A_2, %add3A_11 : i32
    "tpu.region"() ({
      %run_scoped3A = tpu.sem_alloc : memref<!tpu.dma_semaphore, #tpu.memory_space<semaphore_mem>>
      %dma_start3A_49 = arith.constant 0 : i32
      %dma_start3A_50 = tpu.memref_slice %arg4[%add3A_12, %dma_start3A_49] : memref<32768x128xf32, #tpu.memory_space<hbm>> -> memref<256x128xf32, #tpu.memory_space<hbm>>
      %dma_start3A_51 = arith.constant 0 : i32
      %dma_start3A_52 = tpu.memref_slice %arg4[%add3A_12, %dma_start3A_51] : memref<32768x128xf32, #tpu.memory_space<hbm>> -> memref<256x128xf32, #tpu.memory_space<hbm>>
      tpu.enqueue_dma source(%arg6 : memref<256x128xf32, #tpu.memory_space<vmem>>) target(%dma_start3A_52 : memref<256x128xf32, #tpu.memory_space<hbm>>) target_semaphore(%run_scoped3A : memref<!tpu.dma_semaphore, #tpu.memory_space<semaphore_mem>>)
      %dma_wait3A_53 = arith.constant 0 : i32
      %dma_wait3A_54 = tpu.memref_slice %arg4[%add3A_12, %dma_wait3A_53] : memref<32768x128xf32, #tpu.memory_space<hbm>> -> memref<256x128xf32, #tpu.memory_space<hbm>>
      %dma_wait3A_55 = arith.constant 0 : i32
      %dma_wait3A_56 = tpu.memref_slice %arg4[%add3A_12, %dma_wait3A_55] : memref<32768x128xf32, #tpu.memory_space<hbm>> -> memref<256x128xf32, #tpu.memory_space<hbm>>
      tpu.wait_dma2 semaphore(%run_scoped3A : memref<!tpu.dma_semaphore, #tpu.memory_space<semaphore_mem>>) src(%arg6 : memref<256x128xf32, #tpu.memory_space<vmem>>) dst(%dma_wait3A_56 : memref<256x128xf32, #tpu.memory_space<hbm>>)
      tpu.yield
    }) : () -> ()
    %dma_start3A_13 = arith.constant 256 : i32
    %dma_start3A_14 = tpu.memref_slice %arg5[%dma_start3A_13] : memref<1024xi32, #tpu.memory_space<vmem>> -> memref<256xi32, #tpu.memory_space<vmem>>
    %dma_start3A_15 = arith.constant 0 : i32
    %dma_start3A_16 = arith.constant 0 : i32
    %dma_start3A_17 = tpu.memref_slice %arg2[%dma_start3A_15, %dma_start3A_16] : memref<8192x128xf32, #tpu.memory_space<hbm>> -> memref<8192x128xf32, #tpu.memory_space<hbm>>
    tpu.enqueue_indirect_dma source(%dma_start3A_17 : memref<8192x128xf32, #tpu.memory_space<hbm>>) target(%arg6 : memref<256x128xf32, #tpu.memory_space<vmem>>) offsets(%dma_start3A_14 : memref<256xi32, #tpu.memory_space<vmem>>) semaphore(%arg7 : memref<!tpu.dma_semaphore, #tpu.memory_space<semaphore_mem>>)
    %dma_wait3A_18 = arith.constant 256 : i32
    %dma_wait3A_19 = tpu.memref_slice %arg5[%dma_wait3A_18] : memref<1024xi32, #tpu.memory_space<vmem>> -> memref<256xi32, #tpu.memory_space<vmem>>
    %dma_wait3A_20 = arith.constant 0 : i32
    %dma_wait3A_21 = arith.constant 0 : i32
    %dma_wait3A_22 = tpu.memref_slice %arg2[%dma_wait3A_20, %dma_wait3A_21] : memref<8192x128xf32, #tpu.memory_space<hbm>> -> memref<8192x128xf32, #tpu.memory_space<hbm>>
    tpu.wait_indirect_dma semaphore(%arg7 : memref<!tpu.dma_semaphore, #tpu.memory_space<semaphore_mem>>) src(%dma_wait3A_22 : memref<8192x128xf32, #tpu.memory_space<hbm>>) dst(%arg6 : memref<256x128xf32, #tpu.memory_space<vmem>>)
    %add3A_23 = arith.constant 256 : i32
    %add3A_24 = arith.addi %mul3A_2, %add3A_23 : i32
    "tpu.region"() ({
      %run_scoped3A = tpu.sem_alloc : memref<!tpu.dma_semaphore, #tpu.memory_space<semaphore_mem>>
      %dma_start3A_49 = arith.constant 0 : i32
      %dma_start3A_50 = tpu.memref_slice %arg4[%add3A_24, %dma_start3A_49] : memref<32768x128xf32, #tpu.memory_space<hbm>> -> memref<256x128xf32, #tpu.memory_space<hbm>>
      %dma_start3A_51 = arith.constant 0 : i32
      %dma_start3A_52 = tpu.memref_slice %arg4[%add3A_24, %dma_start3A_51] : memref<32768x128xf32, #tpu.memory_space<hbm>> -> memref<256x128xf32, #tpu.memory_space<hbm>>
      tpu.enqueue_dma source(%arg6 : memref<256x128xf32, #tpu.memory_space<vmem>>) target(%dma_start3A_52 : memref<256x128xf32, #tpu.memory_space<hbm>>) target_semaphore(%run_scoped3A : memref<!tpu.dma_semaphore, #tpu.memory_space<semaphore_mem>>)
      %dma_wait3A_53 = arith.constant 0 : i32
      %dma_wait3A_54 = tpu.memref_slice %arg4[%add3A_24, %dma_wait3A_53] : memref<32768x128xf32, #tpu.memory_space<hbm>> -> memref<256x128xf32, #tpu.memory_space<hbm>>
      %dma_wait3A_55 = arith.constant 0 : i32
      %dma_wait3A_56 = tpu.memref_slice %arg4[%add3A_24, %dma_wait3A_55] : memref<32768x128xf32, #tpu.memory_space<hbm>> -> memref<256x128xf32, #tpu.memory_space<hbm>>
      tpu.wait_dma2 semaphore(%run_scoped3A : memref<!tpu.dma_semaphore, #tpu.memory_space<semaphore_mem>>) src(%arg6 : memref<256x128xf32, #tpu.memory_space<vmem>>) dst(%dma_wait3A_56 : memref<256x128xf32, #tpu.memory_space<hbm>>)
      tpu.yield
    }) : () -> ()
    %dma_start3A_25 = arith.constant 512 : i32
    %dma_start3A_26 = tpu.memref_slice %arg5[%dma_start3A_25] : memref<1024xi32, #tpu.memory_space<vmem>> -> memref<256xi32, #tpu.memory_space<vmem>>
    %dma_start3A_27 = arith.constant 0 : i32
    %dma_start3A_28 = arith.constant 0 : i32
    %dma_start3A_29 = tpu.memref_slice %arg2[%dma_start3A_27, %dma_start3A_28] : memref<8192x128xf32, #tpu.memory_space<hbm>> -> memref<8192x128xf32, #tpu.memory_space<hbm>>
    tpu.enqueue_indirect_dma source(%dma_start3A_29 : memref<8192x128xf32, #tpu.memory_space<hbm>>) target(%arg6 : memref<256x128xf32, #tpu.memory_space<vmem>>) offsets(%dma_start3A_26 : memref<256xi32, #tpu.memory_space<vmem>>) semaphore(%arg7 : memref<!tpu.dma_semaphore, #tpu.memory_space<semaphore_mem>>)
    %dma_wait3A_30 = arith.constant 512 : i32
    %dma_wait3A_31 = tpu.memref_slice %arg5[%dma_wait3A_30] : memref<1024xi32, #tpu.memory_space<vmem>> -> memref<256xi32, #tpu.memory_space<vmem>>
    %dma_wait3A_32 = arith.constant 0 : i32
    %dma_wait3A_33 = arith.constant 0 : i32
    %dma_wait3A_34 = tpu.memref_slice %arg2[%dma_wait3A_32, %dma_wait3A_33] : memref<8192x128xf32, #tpu.memory_space<hbm>> -> memref<8192x128xf32, #tpu.memory_space<hbm>>
    tpu.wait_indirect_dma semaphore(%arg7 : memref<!tpu.dma_semaphore, #tpu.memory_space<semaphore_mem>>) src(%dma_wait3A_34 : memref<8192x128xf32, #tpu.memory_space<hbm>>) dst(%arg6 : memref<256x128xf32, #tpu.memory_space<vmem>>)
    %add3A_35 = arith.constant 512 : i32
    %add3A_36 = arith.addi %mul3A_2, %add3A_35 : i32
    "tpu.region"() ({
      %run_scoped3A = tpu.sem_alloc : memref<!tpu.dma_semaphore, #tpu.memory_space<semaphore_mem>>
      %dma_start3A_49 = arith.constant 0 : i32
      %dma_start3A_50 = tpu.memref_slice %arg4[%add3A_36, %dma_start3A_49] : memref<32768x128xf32, #tpu.memory_space<hbm>> -> memref<256x128xf32, #tpu.memory_space<hbm>>
      %dma_start3A_51 = arith.constant 0 : i32
      %dma_start3A_52 = tpu.memref_slice %arg4[%add3A_36, %dma_start3A_51] : memref<32768x128xf32, #tpu.memory_space<hbm>> -> memref<256x128xf32, #tpu.memory_space<hbm>>
      tpu.enqueue_dma source(%arg6 : memref<256x128xf32, #tpu.memory_space<vmem>>) target(%dma_start3A_52 : memref<256x128xf32, #tpu.memory_space<hbm>>) target_semaphore(%run_scoped3A : memref<!tpu.dma_semaphore, #tpu.memory_space<semaphore_mem>>)
      %dma_wait3A_53 = arith.constant 0 : i32
      %dma_wait3A_54 = tpu.memref_slice %arg4[%add3A_36, %dma_wait3A_53] : memref<32768x128xf32, #tpu.memory_space<hbm>> -> memref<256x128xf32, #tpu.memory_space<hbm>>
      %dma_wait3A_55 = arith.constant 0 : i32
      %dma_wait3A_56 = tpu.memref_slice %arg4[%add3A_36, %dma_wait3A_55] : memref<32768x128xf32, #tpu.memory_space<hbm>> -> memref<256x128xf32, #tpu.memory_space<hbm>>
      tpu.wait_dma2 semaphore(%run_scoped3A : memref<!tpu.dma_semaphore, #tpu.memory_space<semaphore_mem>>) src(%arg6 : memref<256x128xf32, #tpu.memory_space<vmem>>) dst(%dma_wait3A_56 : memref<256x128xf32, #tpu.memory_space<hbm>>)
      tpu.yield
    }) : () -> ()
    %dma_start3A_37 = arith.constant 768 : i32
    %dma_start3A_38 = tpu.memref_slice %arg5[%dma_start3A_37] : memref<1024xi32, #tpu.memory_space<vmem>> -> memref<256xi32, #tpu.memory_space<vmem>>
    %dma_start3A_39 = arith.constant 0 : i32
    %dma_start3A_40 = arith.constant 0 : i32
    %dma_start3A_41 = tpu.memref_slice %arg2[%dma_start3A_39, %dma_start3A_40] : memref<8192x128xf32, #tpu.memory_space<hbm>> -> memref<8192x128xf32, #tpu.memory_space<hbm>>
    tpu.enqueue_indirect_dma source(%dma_start3A_41 : memref<8192x128xf32, #tpu.memory_space<hbm>>) target(%arg6 : memref<256x128xf32, #tpu.memory_space<vmem>>) offsets(%dma_start3A_38 : memref<256xi32, #tpu.memory_space<vmem>>) semaphore(%arg7 : memref<!tpu.dma_semaphore, #tpu.memory_space<semaphore_mem>>)
    %dma_wait3A_42 = arith.constant 768 : i32
    %dma_wait3A_43 = tpu.memref_slice %arg5[%dma_wait3A_42] : memref<1024xi32, #tpu.memory_space<vmem>> -> memref<256xi32, #tpu.memory_space<vmem>>
    %dma_wait3A_44 = arith.constant 0 : i32
    %dma_wait3A_45 = arith.constant 0 : i32
    %dma_wait3A_46 = tpu.memref_slice %arg2[%dma_wait3A_44, %dma_wait3A_45] : memref<8192x128xf32, #tpu.memory_space<hbm>> -> memref<8192x128xf32, #tpu.memory_space<hbm>>
    tpu.wait_indirect_dma semaphore(%arg7 : memref<!tpu.dma_semaphore, #tpu.memory_space<semaphore_mem>>) src(%dma_wait3A_46 : memref<8192x128xf32, #tpu.memory_space<hbm>>) dst(%arg6 : memref<256x128xf32, #tpu.memory_space<vmem>>)
    %add3A_47 = arith.constant 768 : i32
    %add3A_48 = arith.addi %mul3A_2, %add3A_47 : i32
    "tpu.region"() ({
      %run_scoped3A = tpu.sem_alloc : memref<!tpu.dma_semaphore, #tpu.memory_space<semaphore_mem>>
      %dma_start3A_49 = arith.constant 0 : i32
      %dma_start3A_50 = tpu.memref_slice %arg4[%add3A_48, %dma_start3A_49] : memref<32768x128xf32, #tpu.memory_space<hbm>> -> memref<256x128xf32, #tpu.memory_space<hbm>>
      %dma_start3A_51 = arith.constant 0 : i32
      %dma_start3A_52 = tpu.memref_slice %arg4[%add3A_48, %dma_start3A_51] : memref<32768x128xf32, #tpu.memory_space<hbm>> -> memref<256x128xf32, #tpu.memory_space<hbm>>
      tpu.enqueue_dma source(%arg6 : memref<256x128xf32, #tpu.memory_space<vmem>>) target(%dma_start3A_52 : memref<256x128xf32, #tpu.memory_space<hbm>>) target_semaphore(%run_scoped3A : memref<!tpu.dma_semaphore, #tpu.memory_space<semaphore_mem>>)
      %dma_wait3A_53 = arith.constant 0 : i32
      %dma_wait3A_54 = tpu.memref_slice %arg4[%add3A_48, %dma_wait3A_53] : memref<32768x128xf32, #tpu.memory_space<hbm>> -> memref<256x128xf32, #tpu.memory_space<hbm>>
      %dma_wait3A_55 = arith.constant 0 : i32
      %dma_wait3A_56 = tpu.memref_slice %arg4[%add3A_48, %dma_wait3A_55] : memref<32768x128xf32, #tpu.memory_space<hbm>> -> memref<256x128xf32, #tpu.memory_space<hbm>>
      tpu.wait_dma2 semaphore(%run_scoped3A : memref<!tpu.dma_semaphore, #tpu.memory_space<semaphore_mem>>) src(%arg6 : memref<256x128xf32, #tpu.memory_space<vmem>>) dst(%dma_wait3A_56 : memref<256x128xf32, #tpu.memory_space<hbm>>)
      tpu.yield
    }) : () -> ()
    return
  }
}

module attributes {stable_mosaic.version = 14 : i64} {
  func.func @_argmin_body(%arg0: i32, %arg1: memref<256x32xf32, #tpu.memory_space<vmem>>, %arg2: memref<32x8192xbf16, #tpu.memory_space<vmem>>, %arg3: memref<256x1xf32, #tpu.memory_space<vmem>>, %arg4: memref<1x8192xf32, #tpu.memory_space<vmem>>, %arg5: memref<256x1xi32, #tpu.memory_space<vmem>>) attributes {dimension_semantics = [#tpu.dimension_semantics<arbitrary>], iteration_bounds = array<i64: 128>, scalar_prefetch = 0 : i64, scratch_operands = 0 : i64, tpu.core_type = #tpu.core_type<tc>, window_params = [{transform_indices = @transform_0, window_bounds = array<i64: 256, 32>}, {pipeline_mode = #tpu.pipeline_mode<synchronous>, transform_indices = @transform_1, window_bounds = array<i64: 32, 8192>}, {transform_indices = @transform_2, window_bounds = array<i64: 256, 1>}, {pipeline_mode = #tpu.pipeline_mode<synchronous>, transform_indices = @transform_3, window_bounds = array<i64: 1, 8192>}, {transform_indices = @transform_4, window_bounds = array<i64: 256, 1>}]} {
    %get3A = arith.constant 0 : index
    %get3A_0 = arith.constant 0 : index
    %get3A_1 = vector.load %arg3[%get3A, %get3A_0] : memref<256x1xf32, #tpu.memory_space<vmem>>, vector<256x1xf32>
    %get3A_2 = arith.constant 0 : index
    %get3A_3 = arith.constant 0 : index
    %get3A_4 = vector.load %arg1[%get3A_2, %get3A_3] : memref<256x32xf32, #tpu.memory_space<vmem>>, vector<256x32xf32>
    %convert_element_type3A = arith.truncf %get3A_4 : vector<256x32xf32> to vector<256x32xbf16>
    %broadcast_in_dim3A = arith.constant 0x7F800000 : f32
    %broadcast_in_dim3A_5 = vector.broadcast %broadcast_in_dim3A : f32 to vector<256x1xf32>
    %broadcast_in_dim3A_6 = arith.constant 0 : i32
    %broadcast_in_dim3A_7 = vector.broadcast %broadcast_in_dim3A_6 : i32 to vector<256x1xi32>
    %get3A_8 = arith.constant 0 : index
    %get3A_9 = arith.constant 0 : index
    %get3A_10 = vector.load %arg2[%get3A_8, %get3A_9] : memref<32x8192xbf16, #tpu.memory_space<vmem>>, vector<32x4096xbf16>
    %get3A_11 = arith.constant 0 : index
    %get3A_12 = arith.constant 0 : index
    %get3A_13 = vector.load %arg4[%get3A_11, %get3A_12] : memref<1x8192xf32, #tpu.memory_space<vmem>>, vector<1x4096xf32>
    %dot_general3A = arith.constant dense<0.000000e+00> : vector<256x4096xf32>
    %dot_general3A_14 = tpu.matmul %convert_element_type3A, %get3A_10, %dot_general3A {dimension_numbers = #tpu.dot_dimension_numbers<[1], [0], [0], [1], [0, 0, 1, 1], [], []>, transpose_lhs_hint = false} : vector<256x32xbf16>, vector<32x4096xbf16>, vector<256x4096xf32> -> vector<256x4096xf32>
    %add3A = vector.broadcast %get3A_1 : vector<256x1xf32> to vector<256x4096xf32>
    %add3A_15 = vector.broadcast %get3A_13 : vector<1x4096xf32> to vector<256x4096xf32>
    %add3A_16 = arith.addf %add3A, %add3A_15 : vector<256x4096xf32>
    %mul3A = arith.constant 2.000000e+00 : f32
    %mul3A_17 = vector.broadcast %mul3A : f32 to vector<256x4096xf32>
    %mul3A_18 = arith.mulf %mul3A_17, %dot_general3A_14 : vector<256x4096xf32>
    %sub3A = arith.subf %add3A_16, %mul3A_18 : vector<256x4096xf32>
    %reduce_min3A = arith.constant dense<0x7F800000> : vector<256xf32>
    %reduce_min3A_19 = vector.multi_reduction <minimumf>, %sub3A, %reduce_min3A [1] : vector<256x4096xf32> to vector<256xf32>
    %broadcast_in_dim3A_20 = vector.shape_cast %reduce_min3A_19 : vector<256xf32> to vector<256x1xf32>
    %argmin3A = tpu.reduce_index %sub3A {axis = 1 : i32, kind = #tpu.reduction_kind<arg_min>} : vector<256x4096xf32> -> vector<256xi32>
    %reshape3A = vector.shape_cast %argmin3A : vector<256xi32> to vector<256x1xi32>
    %add3A_21 = arith.constant 0 : i32
    %add3A_22 = vector.broadcast %add3A_21 : i32 to vector<256x1xi32>
    %add3A_23 = arith.addi %reshape3A, %add3A_22 : vector<256x1xi32>
    %lt3A = arith.cmpf olt, %broadcast_in_dim3A_20, %broadcast_in_dim3A_5 : vector<256x1xf32>
    %select_n3A = arith.select %lt3A, %broadcast_in_dim3A_20, %broadcast_in_dim3A_5 : vector<256x1xi1>, vector<256x1xf32>
    %select_n3A_24 = arith.select %lt3A, %add3A_23, %broadcast_in_dim3A_7 : vector<256x1xi1>, vector<256x1xi32>
    %broadcast_in_dim3A_25 = arith.constant 0x7F800000 : f32
    %broadcast_in_dim3A_26 = vector.broadcast %broadcast_in_dim3A_25 : f32 to vector<256x1xf32>
    %broadcast_in_dim3A_27 = arith.constant 0 : i32
    %broadcast_in_dim3A_28 = vector.broadcast %broadcast_in_dim3A_27 : i32 to vector<256x1xi32>
    %get3A_29 = arith.constant 0 : index
    %get3A_30 = arith.constant 4096 : index
    %get3A_31 = vector.load %arg2[%get3A_29, %get3A_30] : memref<32x8192xbf16, #tpu.memory_space<vmem>>, vector<32x4096xbf16>
    %get3A_32 = arith.constant 0 : index
    %get3A_33 = arith.constant 4096 : index
    %get3A_34 = vector.load %arg4[%get3A_32, %get3A_33] : memref<1x8192xf32, #tpu.memory_space<vmem>>, vector<1x4096xf32>
    %dot_general3A_35 = arith.constant dense<0.000000e+00> : vector<256x4096xf32>
    %dot_general3A_36 = tpu.matmul %convert_element_type3A, %get3A_31, %dot_general3A_35 {dimension_numbers = #tpu.dot_dimension_numbers<[1], [0], [0], [1], [0, 0, 1, 1], [], []>, transpose_lhs_hint = false} : vector<256x32xbf16>, vector<32x4096xbf16>, vector<256x4096xf32> -> vector<256x4096xf32>
    %add3A_37 = vector.broadcast %get3A_1 : vector<256x1xf32> to vector<256x4096xf32>
    %add3A_38 = vector.broadcast %get3A_34 : vector<1x4096xf32> to vector<256x4096xf32>
    %add3A_39 = arith.addf %add3A_37, %add3A_38 : vector<256x4096xf32>
    %mul3A_40 = arith.constant 2.000000e+00 : f32
    %mul3A_41 = vector.broadcast %mul3A_40 : f32 to vector<256x4096xf32>
    %mul3A_42 = arith.mulf %mul3A_41, %dot_general3A_36 : vector<256x4096xf32>
    %sub3A_43 = arith.subf %add3A_39, %mul3A_42 : vector<256x4096xf32>
    %reduce_min3A_44 = arith.constant dense<0x7F800000> : vector<256xf32>
    %reduce_min3A_45 = vector.multi_reduction <minimumf>, %sub3A_43, %reduce_min3A_44 [1] : vector<256x4096xf32> to vector<256xf32>
    %broadcast_in_dim3A_46 = vector.shape_cast %reduce_min3A_45 : vector<256xf32> to vector<256x1xf32>
    %argmin3A_47 = tpu.reduce_index %sub3A_43 {axis = 1 : i32, kind = #tpu.reduction_kind<arg_min>} : vector<256x4096xf32> -> vector<256xi32>
    %reshape3A_48 = vector.shape_cast %argmin3A_47 : vector<256xi32> to vector<256x1xi32>
    %add3A_49 = arith.constant 4096 : i32
    %add3A_50 = vector.broadcast %add3A_49 : i32 to vector<256x1xi32>
    %add3A_51 = arith.addi %reshape3A_48, %add3A_50 : vector<256x1xi32>
    %lt3A_52 = arith.cmpf olt, %broadcast_in_dim3A_46, %broadcast_in_dim3A_26 : vector<256x1xf32>
    %select_n3A_53 = arith.select %lt3A_52, %broadcast_in_dim3A_46, %broadcast_in_dim3A_26 : vector<256x1xi1>, vector<256x1xf32>
    %select_n3A_54 = arith.select %lt3A_52, %add3A_51, %broadcast_in_dim3A_28 : vector<256x1xi1>, vector<256x1xi32>
    %convert_element_type3A_55 = arith.truncf %select_n3A : vector<256x1xf32> to vector<256x1xbf16>
    %convert_element_type3A_56 = arith.extf %convert_element_type3A_55 : vector<256x1xbf16> to vector<256x1xf32>
    %lt3A_57 = arith.cmpf olt, %select_n3A_53, %convert_element_type3A_56 : vector<256x1xf32>
    %select_n3A_58 = arith.select %lt3A_57, %select_n3A_54, %select_n3A_24 : vector<256x1xi1>, vector<256x1xi32>
    %swap3A = arith.constant 0 : index
    %swap3A_59 = arith.constant 0 : index
    %swap3A_60 = vector.load %arg5[%swap3A, %swap3A_59] : memref<256x1xi32, #tpu.memory_space<vmem>>, vector<256x1xi32>
    tpu.vector_store %arg5[%swap3A, %swap3A_59], %select_n3A_58 {strides = array<i32>} : memref<256x1xi32, #tpu.memory_space<vmem>>, vector<256x1xi32>,
    return
  }
  func.func @transform_0(%arg0: i32) -> (i32, i32) {
    %c0_i32 = arith.constant 0 : i32
    %c0_i32_0 = arith.constant 0 : i32
    return %arg0, %c0_i32 : i32, i32
  }
  func.func @transform_1(%arg0: i32) -> (i32, i32) {
    %c0_i32 = arith.constant 0 : i32
    %c0_i32_0 = arith.constant 0 : i32
    %c0_i32_1 = arith.constant 0 : i32
    return %c0_i32, %c0_i32_0 : i32, i32
  }
  func.func @transform_2(%arg0: i32) -> (i32, i32) {
    %c0_i32 = arith.constant 0 : i32
    %c0_i32_0 = arith.constant 0 : i32
    return %arg0, %c0_i32 : i32, i32
  }
  func.func @transform_3(%arg0: i32) -> (i32, i32) {
    %c0_i32 = arith.constant 0 : i32
    %c0_i32_0 = arith.constant 0 : i32
    %c0_i32_1 = arith.constant 0 : i32
    return %c0_i32, %c0_i32_0 : i32, i32
  }
  func.func @transform_4(%arg0: i32) -> (i32, i32) {
    %c0_i32 = arith.constant 0 : i32
    %c0_i32_0 = arith.constant 0 : i32
    return %arg0, %c0_i32 : i32, i32
  }
}

</mosaic_0001>

<sc_bundles>
// kernel: kernel.4.cloned.1.call-start
scs
__scs_entry_jumppad:
0x0: {  	(pc) =	sbr.rel $0x88, $3  }
0x1: {  	(tag) =	ssettag $0x0;
	lr =	simm.s32 $0x1  }
0x2: {  	[smem:$0x3F9F] =	sst lr;
	_ =	strace $0xD0000000  }
0x3: {  	_ = 	snop  }
0x4: {  	_ = 	snop  }
0x5: {  	_ = 	snop  }
0x6: {  	_ = 	snop  }
0x7: {  	_ = 	snop  }
__scs_overlays_trampoline_lowered:
0x8: {  	[smem:$0x3FAE] =	sst s0  }
0x9: {  	[smem:$0x3FAF] =	sst s1  }
0xa: {  	[smem:$0x3FB0] =	sst s2  }
0xb: {  	[smem:$0x3FB1] =	sst s3  }
0xc: {  	[smem:$0x3FB2] =	sst s4  }
0xd: {  	[smem:$0x3FB3] =	sst s5  }
0xe: {  	[smem:$0x3FB4] =	sst s6  }
0xf: {  	[smem:$0x3FB5] =	sst s7  }
0x10: {  	[smem:$0x3FB6] =	sst s8  }
0x11: {  	[smem:$0x3FB7] =	sst s9;
	s0 =	simm.s32 @!p0 $0x0  }
0x12: {  	s1 =	sld [smem:$0x3F9D];
	s0 =	simm.s32 @p0 $0x1  }
0x13: {  	[smem:$0x3FB8] =	sst s0;
	s0 =	simm.s32 @!p1 $0x0  }
0x14: {  	s2 =	sld [smem:$0x3F9C];
	s0 =	simm.s32 @p1 $0x1  }
0x15: {  	[smem:$0x3FB9] =	sst s0;
	s0 =	simm.s32 @!p2 $0x0  }
0x16: {  	s3 =	sld [smem:$0x3FDB];
	s0 =	simm.s32 @p2 $0x1  }
0x17: {  	s4 =	simm.s32 $0x1BF5;
	[smem:$0x3FBB] =	sst s0  }
0x18: {  	s0 =	sld [smem:$0x3F9E];
	_ =	swait.ge [sflag:s4], $0x0  }
0x19: {  	s7 =	sld [smem:$0x3F9F]  }
0x1a: {  	s8 =	sadd.s32 $0xFFFFE003, lr  }
0x1b: {  	s9 =	sadd.s32 $0xFFFFFEF7, lr;
	s5 =	simm.s32 $0xFFFFFFFF;
	p2 =	slt.u32 s8, $0xFFFFF086  }
0x1c: {  	p1 =	slt.u32 s9, $0xF7A;
	s5 =	simm.s32 @!p2 $0x0  }
0x1d: {  	s5 =	simm.s32 @p1 $0x1;
	p0 =	seq.s32 s7, s2  }
0x1e: {  	s7 =	smul.u32 @!p0 $0xF7A, s2;
	p2 =	seq.s32 @!p0 s5, $0x0  }
0x1f: {  	s9 =	smul.u32 $0xF7A, s1;
	s8 =	simm.s32 @!p0 $0x1BF5;
	p2 =	por !p2, p0  }
0x20: {  	[sflag:s8] =	ssyncset.s32 @!p0 $0xFFFFF086;
	s6 =	sadd.s32 @!p0 s3, s7;
	s7 =	simm.s32 @!p0 $0x108  }
0x21: {  	s3 =	sadd.s32 s3, s9;
	s6 =	sadd.s32 @!p0 $0x88, s6;
	s7 =	simm.s32 @p2 $0x1082  }
0x22: {  	[simem:s7], [sflag:s8] =	dma.local @!p0 [hbm:s6], $0xF7A  }
0x23: {  	s9 =	sor.u32 $0xD0000000, s2;
	s6 =	simm.s32 $0x108;
	_ =	swait.ge @!p0 [sflag:s8], $0x0  }
0x24: {  	s3 =	sadd.s32 $0x88, s3;
	s6 =	simm.s32 @!p1 $0x1082;
	[sflag:s4] =	ssyncset.s32 $0xFFFFF086  }
0x25: {  	[simem:s6], [sflag:s4] =	dma.local [hbm:s3], $0xF7A  }
0x26: {  	[smem:$0x3F9F] =	sst s1;
	(tag) =	ssettag s2;
	_ =	strace s9  }
0x27: {  	s1 =	sld [smem:$0x3FAF]  }
0x28: {  	s2 =	sld [smem:$0x3FB0]  }
0x29: {  	s4 =	sld [smem:$0x3FB2]  }
0x2a: {  	p0 =	seq.s32 s5, $0x0;
	s5 =	sld [smem:$0x3FB3]  }
0x2b: {  	s6 =	sld [smem:$0x3FB4]  }
0x2c: {  	s7 =	sld [smem:$0x3FB5]  }
0x2d: {  	s3 =	simm.s32 $0x108;
	s8 =	sld [smem:$0x3FB6]  }
0x2e: {  	s3 =	simm.s32 @!p0 $0x1082;
	s9 =	sld [smem:$0x3FB7]  }
0x2f: {  	lr =	sadd.s32 s0, s3;
	s0 =	sld [smem:$0x3FAE]  }
0x30: {  	s3 =	sld [smem:$0x3FB1]  }
0x31: {  	[smem:$0x3FBA] =	sst s10  }
0x32: {  	s10 =	sld [smem:$0x3FB8];
	_ =	sdelay $0x3  }
0x33: {  	p0 =	seq.s32 s10, $0x1;
	s10 =	sld [smem:$0x3FBA];
	_ =	sdelay $0x3  }
0x34: {  	[smem:$0x3FBA] =	sst s10  }
0x35: {  	s10 =	sld [smem:$0x3FB9];
	_ =	sdelay $0x3  }
0x36: {  	p1 =	seq.s32 s10, $0x1;
	s10 =	sld [smem:$0x3FBA];
	_ =	sdelay $0x3  }
0x37: {  	[smem:$0x3FBA] =	sst s10  }
0x38: {  	s10 =	sld [smem:$0x3FBB]  }
0x39: {  	_ = 	snop;
	(pc) =	sbr.ind lr, $3  }
0x3a: {  	_ = 	snop  }
0x3b: {  	_ = 	snop  }
0x3c: {  	p2 =	seq.s32 s10, $0x1;
	s10 =	sld [smem:$0x3FBA]  }
0x3d: {  	_ =	shalt  }
0x3e: {  	_ =	shalt  }
0x3f: {  	_ =	shalt  }
0x40: {  	_ =	shalt  }
0x41: {  	_ =	shalt  }
0x42: {  	_ =	shalt  }
0x43: {  	_ =	shalt  }
0x44: {  	_ =	shalt  }
0x45: {  	_ =	shalt  }
0x46: {  	_ =	shalt  }
0x47: {  	_ =	shalt  }
0x48: {  	_ =	shalt  }
0x49: {  	_ =	shalt  }
0x4a: {  	_ =	shalt  }
0x4b: {  	_ =	shalt  }
0x4c: {  	_ =	shalt  }
0x4d: {  	_ =	shalt  }
0x4e: {  	_ =	shalt  }
0x4f: {  	_ =	shalt  }
0x50: {  	_ =	shalt  }
0x51: {  	_ =	shalt  }
0x52: {  	_ =	shalt  }
0x53: {  	_ =	shalt  }
0x54: {  	_ =	shalt  }
0x55: {  	_ =	shalt  }
0x56: {  	_ =	shalt  }
0x57: {  	_ =	shalt  }
0x58: {  	_ =	shalt  }
0x59: {  	_ =	shalt  }
0x5a: {  	_ =	shalt  }
0x5b: {  	_ =	shalt  }
0x5c: {  	_ =	shalt  }
0x5d: {  	_ =	shalt  }
0x5e: {  	_ =	shalt  }
0x5f: {  	_ =	shalt  }
0x60: {  	_ =	shalt  }
0x61: {  	_ =	shalt  }
0x62: {  	_ =	shalt  }
0x63: {  	_ =	shalt  }
0x64: {  	_ =	shalt  }
0x65: {  	_ =	shalt  }
0x66: {  	_ =	shalt  }
0x67: {  	_ =	shalt  }
0x68: {  	_ =	shalt  }
0x69: {  	_ =	shalt  }
0x6a: {  	_ =	shalt  }
0x6b: {  	_ =	shalt  }
0x6c: {  	_ =	shalt  }
0x6d: {  	_ =	shalt  }
0x6e: {  	_ =	shalt  }
0x6f: {  	_ =	shalt  }
0x70: {  	_ =	shalt  }
0x71: {  	_ =	shalt  }
0x72: {  	_ =	shalt  }
0x73: {  	_ =	shalt  }
0x74: {  	_ =	shalt  }
0x75: {  	_ =	shalt  }
0x76: {  	_ =	shalt  }
0x77: {  	_ =	shalt  }
0x78: {  	_ =	shalt  }
0x79: {  	_ =	shalt  }
0x7a: {  	_ =	shalt  }
0x7b: {  	_ =	shalt  }
0x7c: {  	_ =	shalt  }
0x7d: {  	_ =	shalt  }
0x7e: {  	_ =	shalt  }
0x7f: {  	_ =	shalt  }
0x80: {  	_ =	shalt  }
0x81: {  	_ =	shalt  }
0x82: {  	_ =	shalt  }
0x83: {  	_ =	shalt  }
0x84: {  	_ =	shalt  }
0x85: {  	_ =	shalt  }
0x86: {  	_ =	shalt  }
0x87: {  	_ =	shalt  }
.Lfunc_end0:
.L_simem_size_0:
called_computation_lowered:
.L_overlay_start_0:
0x88: {  	s2 =	sld [smem:$0x3FD9]  }
0x89: {  	s3 =	sld [smem:$0x3FFE];
	_ =	sdelay $0x1  }
0x8a: {  	s1 =	srdreg.scid  }
0x8b: {  	s0 =	sand.u32 $0x1, s1  }
0x8c: {  	s17 =	sshll.u32 s0, $0xA;
	s2 =	sadd.s32 s3, s2  }
0x8d: {  	s2 =	sadd.s32 s2, s17  }
0x8e: {  	[smem:$0x3FC6] =	sst s2  }
0x8f: {  	_ = 	snop  }
0x90: {  	s2 =	sld [smem:$0x3FD0];
	(tm) =	ssettm $0x1  }
0x91: {  	s18 =	sld [smem:$0x3FFB];
	_ =	sdelay $0x3  }
0x92: {  	_ =	strace s18  }
0x93: {  	s3 =	sld [smem:$0x3FFC];
	_ =	sdelay $0x3  }
0x94: {  	_ =	strace s3  }
0x95: {  	s3 =	sld [smem:$0x3FFD];
	_ =	sdelay $0x3  }
0x96: {  	_ =	strace s3  }
0x97: {  	_ =	strace $0x8FFFFFFF  }
0x98: {  	s19 =	sld [smem:$0x3FDB];
	_ =	sdelay $0x1  }
0x99: {  	s4 =	simm.s32 $_scs_section_size  }
0x9a: {  	s5 =	simm.s32 $_size__tile_overlayer_lowered;
	s6 =	simm.s32 $_tile_overlayer_lowered  }
0x9b: {  	s22 =	simm.s32 $0x1BFF;
	s21 =	sshll.u32 s6, $0x1;
	s3 =	sadd.s32 s4, s19  }
0x9c: {  	s7 =	simm.s32 $0x0;
	s20 =	sshll.u32 s5, $0x1;
	s5 =	sadd.s32 s21, s3  }
0x9d: {  	[timem:s7], [sflag:s22] =	dma.local [hbm:s5], s20  }
0x9e: {  	_ =	swait.ge [sflag:s22], s20  }
0x9f: {  	s4 =	ssub.s32 $0x0, s20;
	[sflag:s22] =	ssyncset.done $0x0  }
0xa0: {  	[sflag:s22] =	ssyncadd.s32 s4;
	_ =	sdelay $0x1  }
0xa1: {  	s23 =	simm.s32 $0x1B8B  }
0xa2: {  	_ =	swait.ge [sflag:s23], $0x1  }
0xa3: {  	[sflag:s23] =	ssyncset.done $0x0  }
0xa4: {  	s25 =	simm.s32 $0x1B8E;
	s24 =	sld [smem:$0x3FFE];
	[sflag:s23] =	ssyncadd.s32 $0xFFFFFFFF  }
0xa5: {  	s26 =	simm.s32 $execute0_lowered;
	[smem:$0x3FD2] =	sst s25  }
0xa6: {  	s5 =	sshll.u32 s26, $0x1;
	_ =	strace $0x80000046;
	[dreg:$0x1] =	wrdreg $0xFFFFFFFF  }
0xa7: {  	s28 =	simm.s32 $_size_execute0_lowered;
	s3 =	sadd.s32 s3, s5;
	[dreg:$0x0] =	wrdreg $0x0  }
0xa8: {  	s5 =	sshll.u32 s28, $0x1;
	[dreg:$0x2] =	wrdreg s3  }
0xa9: {  	[dreg:$0x3] =	wrdreg s5  }
0xaa: {  	[dreg:$0x4] =	wrdreg $0xC0  }
0xab: {  	_ =	task [dreg:s7], $0x5FFFF  }
0xac: {  	[dreg:$0x1] =	wrdreg $0xFFFFFFFF  }
0xad: {  	[dreg:$0x0] =	wrdreg $0x60  }
0xae: {  	[dreg:$0x2] =	wrdreg s2  }
0xaf: {  	[dreg:$0x3] =	wrdreg s24  }
0xb0: {  	[dreg:$0x4] =	wrdreg $0x9  }
0xb1: {  	_ =	task.clear_ibuf [dreg:s7], $0x5FFFF;
	_ =	strace $0x90000046  }
0xb2: {  	s29 =	simm.s32 $0x9;
	_ =	strace $0x80000048  }
0xb3: {  	_ =	swait.ge [sflag:s29], $0x1  }
0xb4: {  	[sflag:s29] =	ssyncadd.s32 $0xFFFFFFFF  }
0xb5: {  	_ =	strace $0x90000048  }
0xb6: {  	_ =	sfence  }
0xb7: {  	s30 =	sld [smem:$0x0];
	_ =	sdelay $0x2  }
0xb8: {  	s31 =	sshll.u32 s1, $0xD;
	s1 =	sshrl.u32 s1, $0x2  }
0xb9: {  	s3 =	sand.u32 $0x4000, s31;
	s1 =	sadd.s32 s1, s30  }
0xba: {  	s0 =	sor.u32 s3, s0;
	s1 =	sshll.u32 s1, $0x11  }
0xbb: {  	s0 =	sor.u32 s1, s0  }
0xbc: {  	s0 =	sadd.s32 $0x8F2B, s0  }
0xbd: {  	[sflag:s0] =	ssyncadd.remote.s32 $0x1  }
0xbe: {  	_ =	sfence.sel $0xFFFF  }
0xbf: {  	[dreg:$0x0] =	wrdreg $0xFFFFFFFF;
	(pc) =	sbr.abs _section_cstart, $3  }
0xc0: {  	[dreg:$0x1] =	wrdreg $0xFFFFFFFF  }
0xc1: {  	_ =	task.clear_ibuf [dreg:s7], $0x2FFFF;
	_ =	strace $0x9FFFFFFF  }
0xc2: {  	(tm) =	ssettm $0x7FFFFFFF  }
0xc3: {  	_ =	shalt  }
tec
execute0_lowered:
.L_overlay_start_1:
0x0: {  	(tag) =	ssettag $0x1  }
0x1: {  	s1 =	srdreg.scid  }
0x2: {  	s0 =	stileid.u32;
	s13 =	sand.u32 $0x1, s1  }
0x3: {  	s2 =	rddreg [dreg:$0x0];
	s31 =	sshll.u32 s0, $0xB;
	s3 =	sshll.u32 s13, $0xA  }
0x4: {  	s9 =	rddreg [dreg:$0x1];
	s10 =	sor.u32 s3, s31  }
0x5: {  	s1 =	rddreg [dreg:$0x2];
	s3 =	simm.s32 $0x0;
	s4 =	sshrl.u32 s10, $0x3  }
0x6: {  	[smem:$0x7FF] =	sst s3;
	s4 =	sadd.s32 s4, s9  }
0x7: {  	_ =	strace $0x80000047;
	s5 =	sadd.s32 $0x80A00, s4;
	s4 =	simm.s32 $0x2  }
0x8: {  	[tilespmem:s3], [sflag:$0x2] =	stream.linear.gather [hbm4b:s5+s3], $0x400, $0x38;
	[tilespmem:$0x8400] =	vst v63  }
0x9: {  	_ =	swait.ge [sflag:s4], $0x400  }
0xa: {  	s6 =	simm.s32 $0x100;
	[sflag:s4] =	ssyncset.done $0x0  }
0xb: {  	s7 =	simm.s32 $0x400;
	s8 =	simm.s32 $0x1;
	[sflag:s4] =	ssyncadd.s32 $0xFFFFFC00  }
0xc: {  	[tilespmem:s7], [sflag:$0x1] =	stream.indirect.gather [hbm4b:s2+s6], $0x80, s3, s6, $0xb8;
	[tilespmem:$0x8400] =	vst v63  }
0xd: {  	s10 =	sshll.u32 s10, $0x4;
	_ =	swait.ge [sflag:s8], $0x8000  }
0xe: {  	s14 =	sadd.s32 s10, s9;
	[sflag:s8] =	ssyncset.done $0x0  }
0xf: {  	s9 =	sadd.s32 $0x81A00, s14;
	[sflag:s8] =	ssyncadd.s32 $0xFFFF8000  }
0x10: {  	[hbm4b:s9+s3] =	stream.linear.scatter [tilespmem:s7], [sflag:$0x2], $0x8000, $0x38;
	[tilespmem:$0x8400] =	vst v63  }
0x11: {  	_ =	swait.ge [sflag:s4], $0x8000  }
0x12: {  	[sflag:s4] =	ssyncset.done $0x0  }
0x13: {  	[sflag:s4] =	ssyncadd.s32 $0xFFFF8000  }
0x14: {  	[tilespmem:s7], [sflag:$0x1] =	stream.indirect.gather [hbm4b:s2+s6], $0x80, s6, s6, $0xb8;
	[tilespmem:$0x8400] =	vst v63  }
0x15: {  	_ =	swait.ge [sflag:s8], $0x8000  }
0x16: {  	[sflag:s8] =	ssyncset.done $0x0  }
0x17: {  	s10 =	sadd.s32 $0x82A00, s14;
	[sflag:s8] =	ssyncadd.s32 $0xFFFF8000  }
0x18: {  	[hbm4b:s10+s3] =	stream.linear.scatter [tilespmem:s7], [sflag:$0x2], $0x8000, $0x38;
	[tilespmem:$0x8400] =	vst v63  }
0x19: {  	_ =	swait.ge [sflag:s4], $0x8000  }
0x1a: {  	[sflag:s4] =	ssyncset.done $0x0  }
0x1b: {  	s11 =	simm.s32 $0x200;
	[sflag:s4] =	ssyncadd.s32 $0xFFFF8000  }
0x1c: {  	[tilespmem:s7], [sflag:$0x1] =	stream.indirect.gather [hbm4b:s2+s6], $0x80, s11, s6, $0xb8;
	[tilespmem:$0x8400] =	vst v63  }
0x1d: {  	_ =	swait.ge [sflag:s8], $0x8000  }
0x1e: {  	[sflag:s8] =	ssyncset.done $0x0  }
0x1f: {  	s15 =	ssub.s32 $0x2, s13;
	s12 =	sadd.s32 $0x83A00, s14;
	[sflag:s8] =	ssyncadd.s32 $0xFFFF8000  }
0x20: {  	[hbm4b:s12+s3] =	stream.linear.scatter [tilespmem:s7], [sflag:$0x2], $0x8000, $0x38;
	[tilespmem:$0x8400] =	vst v63  }
0x21: {  	s16 =	sshrl.u32 s15, $0x1;
	_ =	swait.ge [sflag:s4], $0x8000  }
0x22: {  	s15 =	ssub.s32 s15, s16;
	[sflag:s4] =	ssyncset.done $0x0  }
0x23: {  	s13 =	simm.s32 $0x300;
	s15 =	smax.u32 s15, $0x1;
	[sflag:s4] =	ssyncadd.s32 $0xFFFF8000  }
0x24: {  	[tilespmem:s7], [sflag:$0x1] =	stream.indirect.gather [hbm4b:s2+s6], $0x80, s13, s6, $0xb8;
	[tilespmem:$0x8400] =	vst v63  }
0x25: {  	p0 =	sne.s32 s15, $0x1;
	_ =	swait.ge [sflag:s8], $0x8000  }
.Ltmp0:
0x26: {  	[sflag:s8] =	ssyncset.done $0x0;
	(pc) =	sbr.rel @!p0 .LBB2_2-.Ltmp0, $4  }
0x27: {  	s14 =	sadd.s32 $0x84A00, s14;
	[sflag:s8] =	ssyncadd.s32 $0xFFFF8000  }
0x28: {  	[hbm4b:s14+s3] =	stream.linear.scatter [tilespmem:s7], [sflag:$0x2], $0x8000, $0x38;
	[tilespmem:$0x8400] =	vst v63  }
0x29: {  	_ =	swait.ge [sflag:s4], $0x8000  }
0x2a: {  	s15 =	sadd.s32 $0xFFFFFFFF, s15;
	[sflag:s4] =	ssyncset.done $0x0  }
.LBB2_1:
0x2b: {  	p0 =	sne.s32 s15, $0x1;
	s15 =	sadd.s32 $0xFFFFFFFF, s15;
	[sflag:s4] =	ssyncadd.s32 $0xFFFF8000  }
0x2c: {  	[tilespmem:s3], [sflag:$0x2] =	stream.linear.gather [hbm4b:s5+s3], $0x400, $0x38;
	[tilespmem:$0x8400] =	vst v63  }
0x2d: {  	_ =	swait.ge [sflag:s4], $0x400  }
0x2e: {  	[sflag:s4] =	ssyncset.done $0x0  }
0x2f: {  	[sflag:s4] =	ssyncadd.s32 $0xFFFFFC00  }
0x30: {  	[tilespmem:s7], [sflag:$0x1] =	stream.indirect.gather [hbm4b:s2+s6], $0x80, s3, s6, $0xb8;
	[tilespmem:$0x8400] =	vst v63  }
0x31: {  	_ =	swait.ge [sflag:s8], $0x8000  }
0x32: {  	[sflag:s8] =	ssyncset.done $0x0  }
0x33: {  	[sflag:s8] =	ssyncadd.s32 $0xFFFF8000  }
0x34: {  	[hbm4b:s9+s3] =	stream.linear.scatter [tilespmem:s7], [sflag:$0x2], $0x8000, $0x38;
	[tilespmem:$0x8400] =	vst v63  }
0x35: {  	_ =	swait.ge [sflag:s4], $0x8000  }
0x36: {  	[sflag:s4] =	ssyncset.done $0x0  }
0x37: {  	[sflag:s4] =	ssyncadd.s32 $0xFFFF8000  }
0x38: {  	[tilespmem:s7], [sflag:$0x1] =	stream.indirect.gather [hbm4b:s2+s6], $0x80, s6, s6, $0xb8;
	[tilespmem:$0x8400] =	vst v63  }
0x39: {  	_ =	swait.ge [sflag:s8], $0x8000  }
0x3a: {  	[sflag:s8] =	ssyncset.done $0x0  }
0x3b: {  	[sflag:s8] =	ssyncadd.s32 $0xFFFF8000  }
0x3c: {  	[hbm4b:s10+s3] =	stream.linear.scatter [tilespmem:s7], [sflag:$0x2], $0x8000, $0x38;
	[tilespmem:$0x8400] =	vst v63  }
0x3d: {  	_ =	swait.ge [sflag:s4], $0x8000  }
0x3e: {  	[sflag:s4] =	ssyncset.done $0x0  }
0x3f: {  	[sflag:s4] =	ssyncadd.s32 $0xFFFF8000  }
0x40: {  	[tilespmem:s7], [sflag:$0x1] =	stream.indirect.gather [hbm4b:s2+s6], $0x80, s11, s6, $0xb8;
	[tilespmem:$0x8400] =	vst v63  }
0x41: {  	_ =	swait.ge [sflag:s8], $0x8000  }
0x42: {  	[sflag:s8] =	ssyncset.done $0x0  }
0x43: {  	[sflag:s8] =	ssyncadd.s32 $0xFFFF8000  }
0x44: {  	[hbm4b:s12+s3] =	stream.linear.scatter [tilespmem:s7], [sflag:$0x2], $0x8000, $0x38;
	[tilespmem:$0x8400] =	vst v63  }
0x45: {  	_ =	swait.ge [sflag:s4], $0x8000  }
0x46: {  	[sflag:s4] =	ssyncset.done $0x0  }
0x47: {  	[sflag:s4] =	ssyncadd.s32 $0xFFFF8000  }
0x48: {  	[tilespmem:s7], [sflag:$0x1] =	stream.indirect.gather [hbm4b:s2+s6], $0x80, s13, s6, $0xb8;
	[tilespmem:$0x8400] =	vst v63  }
0x49: {  	_ =	swait.ge [sflag:s8], $0x8000  }
.Ltmp1:
0x4a: {  	[sflag:s8] =	ssyncset.done $0x0;
	(pc) =	sbr.rel @p0 .LBB2_1-.Ltmp1, $4  }
0x4b: {  	[sflag:s8] =	ssyncadd.s32 $0xFFFF8000  }
0x4c: {  	[hbm4b:s14+s3] =	stream.linear.scatter [tilespmem:s7], [sflag:$0x2], $0x8000, $0x38;
	[tilespmem:$0x8400] =	vst v63  }
0x4d: {  	_ =	swait.ge [sflag:s4], $0x8000  }
0x4e: {  	[sflag:s4] =	ssyncset.done $0x0  }
.LBB2_2:
0x4f: {  	[sflag:s4] =	ssyncadd.s32 $0xFFFF8000  }
0x50: {  	_ =	sfence.sel $0x180000  }
0x51: {  	[bflag:$0x0] =	sbarrier.arrive $0xFFFF  }
0x52: {  	p0 =	sne.s32 s0, $0x0;
	_ =	strace $0x90000047  }
0x53: {  	s0 =	sadd.s32 @!p0 $0x100000, s1;
	[bflag:$0x2] =	sbarrier.arrive $0xFFFF  }
0x54: {  	[sflag:s0] =	ssyncadd.tile.s32 @!p0 $0x1;
	_ =	shalt  }
.Lfunc_end2:
_tile_overlayer_lowered:
.L_overlay_start_2:
0x55: {  	(tag) =	ssettag $0x2  }
0x56: {  	s0 =	rddreg [dreg:$0x0];
	s2 =	stileid.u32  }
0x57: {  	s1 =	rddreg [dreg:$0x1];
	p0 =	sne.s32 s2, $0x0  }
0x58: {  	s3 =	rddreg [dreg:$0x2];
	[bflag:$0x3] =	sbarrier.arrive $0xFFFF;
	s2 =	simm.s32 @!p0 $0x1C02  }
0x59: {  	[timem:s3], [sflag:s2] =	dma.local @!p0 [hbm:s0], s1  }
0x5a: {  	s0 =	simm.s32 @!p0 $0x2  }
0x5b: {  	_ =	swait.ge @!p0 [sflag:s0], s1  }
0x5c: {  	s1 =	ssub.s32 @!p0 $0x0, s1;
	[sflag:s0] =	ssyncset.done @!p0 $0x0  }
0x5d: {  	[sflag:s0] =	ssyncadd.s32 @!p0 s1  }
0x5e: {  	[bflag:$0x3] =	sbarrier.arrive $0xFFFF  }
0x5f: {  	_ =	shalt  }

</sc_bundles>
